<compile_context>
chip_gen: v7x
topology: tpu7x:2x2x1
jax: 0.10.2.dev20260603
libtpu: 0.0.44.dev20260713+nightly
codegen_flags: <defaults>
</compile_context>

<pallas_src>
import functools

import jax
import jax.numpy as jnp
from jax import lax
from jax.experimental import pallas as pl
from jax.experimental.pallas import tpu as pltpu
from jax.experimental.pallas import tpu_sc as plsc

_LANES = 128


def _sc_gather(table, idx_flat):
    info = plsc.get_sparse_core_info()
    nw = info.num_cores * info.num_subcores
    nr = idx_flat.shape[0] // _LANES
    rows_per_w = nr // nw
    mesh = plsc.VectorSubcoreMesh(core_axis_name="c", subcore_axis_name="s")

    @functools.partial(
        pl.kernel,
        mesh=mesh,
        out_type=jax.ShapeDtypeStruct((nr * _LANES,), jnp.float32),
        scratch_types=[
            pltpu.VMEM((rows_per_w * _LANES,), jnp.int32),
            pltpu.VMEM((rows_per_w * _LANES,), jnp.float32),
            pltpu.SemaphoreType.DMA,
        ],
    )
    def gather_kernel(table_hbm, idx_hbm, out_hbm, idx_v, vals_v, sem):
        wid = lax.axis_index("s") * info.num_cores + lax.axis_index("c")
        n_per_w = rows_per_w * _LANES
        base = wid * n_per_w
        pltpu.sync_copy(idx_hbm.at[pl.ds(base, n_per_w)], idx_v)
        pltpu.async_copy(table_hbm.at[idx_v], vals_v, sem).wait()
        pltpu.sync_copy(vals_v, out_hbm.at[pl.ds(base, n_per_w)])

    return gather_kernel(table, idx_flat)


def _tc_loss(gathered2d, t2d, w2d, n_batches):
    nr = gathered2d.shape[0]
    rows_per_b = nr // n_batches

    def body(g_ref, t_ref, w_ref, out_ref):
        b = pl.program_id(0)
        x = g_ref[...]
        t = t_ref[...]
        w = w_ref[...]
        loss = jnp.maximum(x, 0.0) - x * t + jnp.log1p(jnp.exp(-jnp.abs(x)))
        num = jnp.sum(loss * w)
        den = jnp.sum(t * w)

        @pl.when(b == 0)
        def _():
            out_ref[0, 0] = 0.0

        out_ref[0, 0] += num / (den * n_batches)

    out = pl.pallas_call(
        body,
        grid=(n_batches,),
        in_specs=[
            pl.BlockSpec((rows_per_b, _LANES), lambda b: (b, 0)),
            pl.BlockSpec((rows_per_b, _LANES), lambda b: (b, 0)),
            pl.BlockSpec((rows_per_b, _LANES), lambda b: (b, 0)),
        ],
        out_specs=pl.BlockSpec(memory_space=pltpu.SMEM),
        out_shape=jax.ShapeDtypeStruct((1, 1), jnp.float32),
    )(gathered2d, t2d, w2d)
    return out[0, 0]


def kernel(voxel_occupancy, voxels_in_ray, occupany_of_voxels_in_ray, norm_dist):
    b, _, z, y, x = voxel_occupancy.shape
    v = z * y * x
    r = voxels_in_ray.shape[1]
    table = voxel_occupancy.reshape(b * v)
    idx = voxels_in_ray.astype(jnp.int32) + (jnp.arange(b, dtype=jnp.int32) * v)[:, None]
    idx_flat = idx.reshape(-1)
    gathered2d = _sc_gather(table, idx_flat).reshape(-1, _LANES)
    t2d = occupany_of_voxels_in_ray.reshape(-1, _LANES)
    w2d = norm_dist.reshape(-1, _LANES)
    return _tc_loss(gathered2d, t2d, w2d, b)

# --- scband reference (transcript-rebuilt; emitter-appended) ---
"""Pipeline reference for scband-voxel-loss-head-73710228734530 (READ-ONLY COPY).

The authoritative reference and input builder live on the scoring server;
editing this copy changes nothing except your own understanding.
"""

import jax, jax.numpy as jnp
import numpy as np

B, Z, Y, X = 4, 40, 400, 352
R = 262144
V = Z * Y * X
LOSS_WEIGHTS = 1.0
POS_WEIGHT = True


def setup_inputs(seed: int = 0) -> dict:
    key = jax.random.key(seed)
    k1, k2, k3, k4 = jax.random.split(key, 4)
    voxel_occupancy = jax.random.normal(k1, (B, 1, Z, Y, X), dtype=jnp.float32)
    voxels_in_ray = jax.random.randint(k2, (B, R), 0, V, dtype=jnp.int64)
    occupany_of_voxels_in_ray = jax.random.uniform(k3, (B, R), dtype=jnp.float32)
    norm_dist = jax.random.uniform(k4, (B, R), dtype=jnp.float32)
    return {
        "voxel_occupancy": voxel_occupancy,
        "voxels_in_ray": voxels_in_ray,
        "occupany_of_voxels_in_ray": occupany_of_voxels_in_ray,
        "norm_dist": norm_dist,
    }


def _bce_with_logits(x, t):
    # numerically stable binary_cross_entropy_with_logits, reduction='none'
    return jnp.maximum(x, 0.0) - x * t + jnp.log1p(jnp.exp(-jnp.abs(x)))


def reference(voxel_occupancy, voxels_in_ray, occupany_of_voxels_in_ray, norm_dist):
    pred = jnp.squeeze(voxel_occupancy, axis=1)          # [B, Z, Y, X]
    n = pred.shape[0]
    pred_flat = pred.reshape(n, -1)                       # [B, V]
    # gather voxels along each ray (ragged lists padded to dense [B, R])
    gathered = jnp.take_along_axis(pred_flat, voxels_in_ray, axis=1)  # [B, R]
    loss = _bce_with_logits(gathered, occupany_of_voxels_in_ray)      # [B, R]
    weight = jnp.ones_like(loss)
    if POS_WEIGHT:
        weight = weight * norm_dist
    num = jnp.sum(loss * weight, axis=1)
    den = jnp.sum(occupany_of_voxels_in_ray * weight, axis=1)
    per_batch = num / den
    voxel_loss = jnp.sum(per_batch / n) * LOSS_WEIGHTS
    return voxel_loss

if __name__ == "__main__":
    import jax
    _d = setup_inputs()
    print(jax.jit(kernel)(*tuple(_d.values())))

</pallas_src>

<mosaic_0001>
#map = affine_map<(d0, d1) -> (0)>
module attributes {stable_mosaic.version = 14 : i64} {
  func.func @gather_kernel(%arg0: i32, %arg1: i32, %arg2: memref<22528000xf32, #tpu.memory_space<hbm>>, %arg3: memref<1048576xi32, #tpu.memory_space<hbm>>, %arg4: memref<1048576xf32, #tpu.memory_space<hbm>>, %arg5: memref<32768xi32, #tpu.memory_space<vmem>>, %arg6: memref<32768xf32, #tpu.memory_space<vmem>>, %arg7: memref<!tpu.dma_semaphore, #tpu.memory_space<semaphore_mem>>) attributes {dimension_semantics = [#tpu.dimension_semantics<core_parallel>, #tpu.dimension_semantics<subcore_parallel>], iteration_bounds = array<i64: 2, 16>, scalar_prefetch = 0 : i64, scratch_operands = 3 : i64, tpu.core_type = #tpu.core_type<sc_vector_subcore>, window_params = [{transform_indices = #map}, {transform_indices = #map}, {transform_indices = #map}]} {
    %mul3A = arith.constant 2 : i32
    %mul3A_0 = arith.muli %arg1, %mul3A : i32
    %add3A = arith.addi %mul3A_0, %arg0 : i32
    %mul3A_1 = arith.constant 32768 : i32
    %mul3A_2 = arith.muli %add3A, %mul3A_1 : i32
    "tpu.region"() ({
      %run_scoped3A = tpu.sem_alloc : memref<!tpu.dma_semaphore, #tpu.memory_space<semaphore_mem>>
      %dma_start3A_5 = tpu.memref_slice %arg3[%mul3A_2] : memref<1048576xi32, #tpu.memory_space<hbm>> -> memref<32768xi32, #tpu.memory_space<hbm>>
      %dma_start3A_6 = tpu.memref_slice %arg3[%mul3A_2] : memref<1048576xi32, #tpu.memory_space<hbm>> -> memref<32768xi32, #tpu.memory_space<hbm>>
      tpu.enqueue_dma source(%dma_start3A_6 : memref<32768xi32, #tpu.memory_space<hbm>>) target(%arg5 : memref<32768xi32, #tpu.memory_space<vmem>>) target_semaphore(%run_scoped3A : memref<!tpu.dma_semaphore, #tpu.memory_space<semaphore_mem>>)
      %dma_wait3A_7 = tpu.memref_slice %arg3[%mul3A_2] : memref<1048576xi32, #tpu.memory_space<hbm>> -> memref<32768xi32, #tpu.memory_space<hbm>>
      %dma_wait3A_8 = tpu.memref_slice %arg3[%mul3A_2] : memref<1048576xi32, #tpu.memory_space<hbm>> -> memref<32768xi32, #tpu.memory_space<hbm>>
      tpu.wait_dma2 semaphore(%run_scoped3A : memref<!tpu.dma_semaphore, #tpu.memory_space<semaphore_mem>>) src(%dma_wait3A_8 : memref<32768xi32, #tpu.memory_space<hbm>>) dst(%arg5 : memref<32768xi32, #tpu.memory_space<vmem>>)
      tpu.yield
    }) : () -> ()
    %dma_start3A = arith.constant 0 : i32
    %dma_start3A_3 = tpu.memref_slice %arg2[%dma_start3A] : memref<22528000xf32, #tpu.memory_space<hbm>> -> memref<22528000xf32, #tpu.memory_space<hbm>>
    tpu.enqueue_indirect_dma source(%dma_start3A_3 : memref<22528000xf32, #tpu.memory_space<hbm>>) target(%arg6 : memref<32768xf32, #tpu.memory_space<vmem>>) offsets(%arg5 : memref<32768xi32, #tpu.memory_space<vmem>>) semaphore(%arg7 : memref<!tpu.dma_semaphore, #tpu.memory_space<semaphore_mem>>)
    %dma_wait3A = arith.constant 0 : i32
    %dma_wait3A_4 = tpu.memref_slice %arg2[%dma_wait3A] : memref<22528000xf32, #tpu.memory_space<hbm>> -> memref<22528000xf32, #tpu.memory_space<hbm>>
    tpu.wait_indirect_dma semaphore(%arg7 : memref<!tpu.dma_semaphore, #tpu.memory_space<semaphore_mem>>) src(%dma_wait3A_4 : memref<22528000xf32, #tpu.memory_space<hbm>>) dst(%arg6 : memref<32768xf32, #tpu.memory_space<vmem>>)
    "tpu.region"() ({
      %run_scoped3A = tpu.sem_alloc : memref<!tpu.dma_semaphore, #tpu.memory_space<semaphore_mem>>
      %dma_start3A_5 = tpu.memref_slice %arg4[%mul3A_2] : memref<1048576xf32, #tpu.memory_space<hbm>> -> memref<32768xf32, #tpu.memory_space<hbm>>
      %dma_start3A_6 = tpu.memref_slice %arg4[%mul3A_2] : memref<1048576xf32, #tpu.memory_space<hbm>> -> memref<32768xf32, #tpu.memory_space<hbm>>
      tpu.enqueue_dma source(%arg6 : memref<32768xf32, #tpu.memory_space<vmem>>) target(%dma_start3A_6 : memref<32768xf32, #tpu.memory_space<hbm>>) target_semaphore(%run_scoped3A : memref<!tpu.dma_semaphore, #tpu.memory_space<semaphore_mem>>)
      %dma_wait3A_7 = tpu.memref_slice %arg4[%mul3A_2] : memref<1048576xf32, #tpu.memory_space<hbm>> -> memref<32768xf32, #tpu.memory_space<hbm>>
      %dma_wait3A_8 = tpu.memref_slice %arg4[%mul3A_2] : memref<1048576xf32, #tpu.memory_space<hbm>> -> memref<32768xf32, #tpu.memory_space<hbm>>
      tpu.wait_dma2 semaphore(%run_scoped3A : memref<!tpu.dma_semaphore, #tpu.memory_space<semaphore_mem>>) src(%arg6 : memref<32768xf32, #tpu.memory_space<vmem>>) dst(%dma_wait3A_8 : memref<32768xf32, #tpu.memory_space<hbm>>)
      tpu.yield
    }) : () -> ()
    return
  }
}

module attributes {stable_mosaic.version = 14 : i64} {
  func.func @body(%arg0: i32, %arg1: memref<2048x128xf32, #tpu.memory_space<vmem>>, %arg2: memref<2048x128xf32, #tpu.memory_space<vmem>>, %arg3: memref<2048x128xf32, #tpu.memory_space<vmem>>, %arg4: memref<1x1xf32, #tpu.memory_space<smem>>) attributes {dimension_semantics = [#tpu.dimension_semantics<arbitrary>], iteration_bounds = array<i64: 4>, scalar_prefetch = 0 : i64, scratch_operands = 0 : i64, tpu.core_type = #tpu.core_type<tc>, window_params = [{transform_indices = @transform_0, window_bounds = array<i64: 2048, 128>}, {transform_indices = @transform_1, window_bounds = array<i64: 2048, 128>}, {transform_indices = @transform_2, window_bounds = array<i64: 2048, 128>}, {transform_indices = @transform_3, window_bounds = array<i64: 1, 1>}]} {
    %get3A = arith.constant 0 : index
    %get3A_0 = arith.constant 0 : index
    %get3A_1 = vector.load %arg1[%get3A, %get3A_0] : memref<2048x128xf32, #tpu.memory_space<vmem>>, vector<2048x128xf32>
    %get3A_2 = arith.constant 0 : index
    %get3A_3 = arith.constant 0 : index
    %get3A_4 = vector.load %arg2[%get3A_2, %get3A_3] : memref<2048x128xf32, #tpu.memory_space<vmem>>, vector<2048x128xf32>
    %get3A_5 = arith.constant 0 : index
    %get3A_6 = arith.constant 0 : index
    %get3A_7 = vector.load %arg3[%get3A_5, %get3A_6] : memref<2048x128xf32, #tpu.memory_space<vmem>>, vector<2048x128xf32>
    %max3A = arith.constant 0.000000e+00 : f32
    %max3A_8 = vector.broadcast %max3A : f32 to vector<2048x128xf32>
    %max3A_9 = arith.maximumf %get3A_1, %max3A_8 : vector<2048x128xf32>
    %mul3A = arith.mulf %get3A_1, %get3A_4 : vector<2048x128xf32>
    %sub3A = arith.subf %max3A_9, %mul3A : vector<2048x128xf32>
    %abs3A = math.absf %get3A_1 : vector<2048x128xf32>
    %neg3A = arith.constant 0.000000e+00 : f32
    %neg3A_10 = vector.broadcast %neg3A : f32 to vector<2048x128xf32>
    %neg3A_11 = arith.subf %neg3A_10, %abs3A : vector<2048x128xf32>
    %exp3A = math.exp %neg3A_11 : vector<2048x128xf32>
    %log1p3A = math.log1p %exp3A : vector<2048x128xf32>
    %add3A = arith.addf %sub3A, %log1p3A : vector<2048x128xf32>
    %mul3A_12 = arith.mulf %add3A, %get3A_7 : vector<2048x128xf32>
    %reduce_sum3A = vector.shape_cast %mul3A_12 : vector<2048x128xf32> to vector<1x2048x128xf32>
    %reduce_sum3A_13 = arith.constant dense<0.000000e+00> : vector<1xf32>
    %reduce_sum3A_14 = vector.multi_reduction <add>, %reduce_sum3A, %reduce_sum3A_13 [1, 2] : vector<1x2048x128xf32> to vector<1xf32>
    %reduce_sum3A_15 = vector.shape_cast %reduce_sum3A_14 : vector<1xf32> to vector<1x1x1xf32>
    %reduce_sum3A_16 = vector.extract %reduce_sum3A_15[0, 0, 0] : f32 from vector<1x1x1xf32>
    %mul3A_17 = arith.mulf %get3A_4, %get3A_7 : vector<2048x128xf32>
    %reduce_sum3A_18 = vector.shape_cast %mul3A_17 : vector<2048x128xf32> to vector<1x2048x128xf32>
    %reduce_sum3A_19 = arith.constant dense<0.000000e+00> : vector<1xf32>
    %reduce_sum3A_20 = vector.multi_reduction <add>, %reduce_sum3A_18, %reduce_sum3A_19 [1, 2] : vector<1x2048x128xf32> to vector<1xf32>
    %reduce_sum3A_21 = vector.shape_cast %reduce_sum3A_20 : vector<1xf32> to vector<1x1x1xf32>
    %reduce_sum3A_22 = vector.extract %reduce_sum3A_21[0, 0, 0] : f32 from vector<1x1x1xf32>
    %eq3A = arith.constant 0 : i32
    %eq3A_23 = arith.cmpi eq, %arg0, %eq3A : i32
    %convert_element_type3A = arith.extui %eq3A_23 : i1 to i32
    %cond3A = arith.constant 0 : i32
    %cond3A_24 = arith.cmpi ne, %convert_element_type3A, %cond3A : i32
    scf.if %cond3A_24 {
      %swap3A_33 = arith.constant 0.000000e+00 : f32
      %swap3A_34 = arith.constant 0 : index
      %swap3A_35 = arith.constant 0 : index
      %swap3A_36 = memref.load %arg4[%swap3A_34, %swap3A_35] : memref<1x1xf32, #tpu.memory_space<smem>>
      memref.store %swap3A_33, %arg4[%swap3A_34, %swap3A_35] : memref<1x1xf32, #tpu.memory_space<smem>>
    } else {
    }
    %get3A_25 = arith.constant 0 : index
    %get3A_26 = arith.constant 0 : index
    %get3A_27 = memref.load %arg4[%get3A_25, %get3A_26] : memref<1x1xf32, #tpu.memory_space<smem>>
    %mul3A_28 = arith.constant 4.000000e+00 : f32
    %mul3A_29 = arith.mulf %reduce_sum3A_22, %mul3A_28 : f32
    %div3A = arith.divf %reduce_sum3A_16, %mul3A_29 : f32
    %add3A_30 = arith.addf %get3A_27, %div3A : f32
    %swap3A = arith.constant 0 : index
    %swap3A_31 = arith.constant 0 : index
    %swap3A_32 = memref.load %arg4[%swap3A, %swap3A_31] : memref<1x1xf32, #tpu.memory_space<smem>>
    memref.store %add3A_30, %arg4[%swap3A, %swap3A_31] : memref<1x1xf32, #tpu.memory_space<smem>>
    return
  }
  func.func @transform_0(%arg0: i32) -> (i32, i32) {
    %c0_i32 = arith.constant 0 : i32
    %c0_i32_0 = arith.constant 0 : i32
    return %arg0, %c0_i32 : i32, i32
  }
  func.func @transform_1(%arg0: i32) -> (i32, i32) {
    %c0_i32 = arith.constant 0 : i32
    %c0_i32_0 = arith.constant 0 : i32
    return %arg0, %c0_i32 : i32, i32
  }
  func.func @transform_2(%arg0: i32) -> (i32, i32) {
    %c0_i32 = arith.constant 0 : i32
    %c0_i32_0 = arith.constant 0 : i32
    return %arg0, %c0_i32 : i32, i32
  }
  func.func @transform_3(%arg0: i32) -> (i32, i32) {
    %c0_i32 = arith.constant 0 : i32
    %c0_i32_0 = arith.constant 0 : i32
    %c0_i32_1 = arith.constant 0 : i32
    return %c0_i32, %c0_i32_0 : i32, i32
  }
}

</mosaic_0001>

<sc_bundles>
// kernel: kernel.4.cloned.1.call-start
scs
__scs_entry_jumppad:
0x0: {  	(pc) =	sbr.rel $0x88, $3  }
0x1: {  	(tag) =	ssettag $0x0;
	lr =	simm.s32 $0x1  }
0x2: {  	[smem:$0x3F9D] =	sst lr;
	_ =	strace $0xD0000000  }
0x3: {  	_ = 	snop  }
0x4: {  	_ = 	snop  }
0x5: {  	_ = 	snop  }
0x6: {  	_ = 	snop  }
0x7: {  	_ = 	snop  }
__scs_overlays_trampoline_lowered:
0x8: {  	[smem:$0x3FAC] =	sst s0  }
0x9: {  	[smem:$0x3FAD] =	sst s1  }
0xa: {  	[smem:$0x3FAE] =	sst s2  }
0xb: {  	[smem:$0x3FAF] =	sst s3  }
0xc: {  	[smem:$0x3FB0] =	sst s4  }
0xd: {  	[smem:$0x3FB1] =	sst s5  }
0xe: {  	[smem:$0x3FB2] =	sst s6  }
0xf: {  	[smem:$0x3FB3] =	sst s7  }
0x10: {  	[smem:$0x3FB4] =	sst s8  }
0x11: {  	[smem:$0x3FB5] =	sst s9;
	s0 =	simm.s32 @!p0 $0x0  }
0x12: {  	s1 =	sld [smem:$0x3F9B];
	s0 =	simm.s32 @p0 $0x1  }
0x13: {  	[smem:$0x3FB6] =	sst s0;
	s0 =	simm.s32 @!p1 $0x0  }
0x14: {  	s2 =	sld [smem:$0x3F9A];
	s0 =	simm.s32 @p1 $0x1  }
0x15: {  	[smem:$0x3FB7] =	sst s0;
	s0 =	simm.s32 @!p2 $0x0  }
0x16: {  	s3 =	sld [smem:$0x3FDB];
	s0 =	simm.s32 @p2 $0x1  }
0x17: {  	s4 =	simm.s32 $0x1BF5;
	[smem:$0x3FB9] =	sst s0  }
0x18: {  	s0 =	sld [smem:$0x3F9C];
	_ =	swait.ge [sflag:s4], $0x0  }
0x19: {  	s7 =	sld [smem:$0x3F9D]  }
0x1a: {  	s8 =	sadd.s32 $0xFFFFE003, lr  }
0x1b: {  	s9 =	sadd.s32 $0xFFFFFEF7, lr;
	s5 =	simm.s32 $0xFFFFFFFF;
	p2 =	slt.u32 s8, $0xFFFFF086  }
0x1c: {  	p1 =	slt.u32 s9, $0xF7A;
	s5 =	simm.s32 @!p2 $0x0  }
0x1d: {  	s5 =	simm.s32 @p1 $0x1;
	p0 =	seq.s32 s7, s2  }
0x1e: {  	s7 =	smul.u32 @!p0 $0xF7A, s2;
	p2 =	seq.s32 @!p0 s5, $0x0  }
0x1f: {  	s9 =	smul.u32 $0xF7A, s1;
	s8 =	simm.s32 @!p0 $0x1BF5;
	p2 =	por !p2, p0  }
0x20: {  	[sflag:s8] =	ssyncset.s32 @!p0 $0xFFFFF086;
	s6 =	sadd.s32 @!p0 s3, s7;
	s7 =	simm.s32 @!p0 $0x108  }
0x21: {  	s3 =	sadd.s32 s3, s9;
	s6 =	sadd.s32 @!p0 $0x88, s6;
	s7 =	simm.s32 @p2 $0x1082  }
0x22: {  	[simem:s7], [sflag:s8] =	dma.local @!p0 [hbm:s6], $0xF7A  }
0x23: {  	s9 =	sor.u32 $0xD0000000, s2;
	s6 =	simm.s32 $0x108;
	_ =	swait.ge @!p0 [sflag:s8], $0x0  }
0x24: {  	s3 =	sadd.s32 $0x88, s3;
	s6 =	simm.s32 @!p1 $0x1082;
	[sflag:s4] =	ssyncset.s32 $0xFFFFF086  }
0x25: {  	[simem:s6], [sflag:s4] =	dma.local [hbm:s3], $0xF7A  }
0x26: {  	[smem:$0x3F9D] =	sst s1;
	(tag) =	ssettag s2;
	_ =	strace s9  }
0x27: {  	s1 =	sld [smem:$0x3FAD]  }
0x28: {  	s2 =	sld [smem:$0x3FAE]  }
0x29: {  	s4 =	sld [smem:$0x3FB0]  }
0x2a: {  	p0 =	seq.s32 s5, $0x0;
	s5 =	sld [smem:$0x3FB1]  }
0x2b: {  	s6 =	sld [smem:$0x3FB2]  }
0x2c: {  	s7 =	sld [smem:$0x3FB3]  }
0x2d: {  	s3 =	simm.s32 $0x108;
	s8 =	sld [smem:$0x3FB4]  }
0x2e: {  	s3 =	simm.s32 @!p0 $0x1082;
	s9 =	sld [smem:$0x3FB5]  }
0x2f: {  	lr =	sadd.s32 s0, s3;
	s0 =	sld [smem:$0x3FAC]  }
0x30: {  	s3 =	sld [smem:$0x3FAF]  }
0x31: {  	[smem:$0x3FB8] =	sst s10  }
0x32: {  	s10 =	sld [smem:$0x3FB6];
	_ =	sdelay $0x3  }
0x33: {  	p0 =	seq.s32 s10, $0x1;
	s10 =	sld [smem:$0x3FB8];
	_ =	sdelay $0x3  }
0x34: {  	[smem:$0x3FB8] =	sst s10  }
0x35: {  	s10 =	sld [smem:$0x3FB7];
	_ =	sdelay $0x3  }
0x36: {  	p1 =	seq.s32 s10, $0x1;
	s10 =	sld [smem:$0x3FB8];
	_ =	sdelay $0x3  }
0x37: {  	[smem:$0x3FB8] =	sst s10  }
0x38: {  	s10 =	sld [smem:$0x3FB9]  }
0x39: {  	_ = 	snop;
	(pc) =	sbr.ind lr, $3  }
0x3a: {  	_ = 	snop  }
0x3b: {  	_ = 	snop  }
0x3c: {  	p2 =	seq.s32 s10, $0x1;
	s10 =	sld [smem:$0x3FB8]  }
0x3d: {  	_ =	shalt  }
0x3e: {  	_ =	shalt  }
0x3f: {  	_ =	shalt  }
0x40: {  	_ =	shalt  }
0x41: {  	_ =	shalt  }
0x42: {  	_ =	shalt  }
0x43: {  	_ =	shalt  }
0x44: {  	_ =	shalt  }
0x45: {  	_ =	shalt  }
0x46: {  	_ =	shalt  }
0x47: {  	_ =	shalt  }
0x48: {  	_ =	shalt  }
0x49: {  	_ =	shalt  }
0x4a: {  	_ =	shalt  }
0x4b: {  	_ =	shalt  }
0x4c: {  	_ =	shalt  }
0x4d: {  	_ =	shalt  }
0x4e: {  	_ =	shalt  }
0x4f: {  	_ =	shalt  }
0x50: {  	_ =	shalt  }
0x51: {  	_ =	shalt  }
0x52: {  	_ =	shalt  }
0x53: {  	_ =	shalt  }
0x54: {  	_ =	shalt  }
0x55: {  	_ =	shalt  }
0x56: {  	_ =	shalt  }
0x57: {  	_ =	shalt  }
0x58: {  	_ =	shalt  }
0x59: {  	_ =	shalt  }
0x5a: {  	_ =	shalt  }
0x5b: {  	_ =	shalt  }
0x5c: {  	_ =	shalt  }
0x5d: {  	_ =	shalt  }
0x5e: {  	_ =	shalt  }
0x5f: {  	_ =	shalt  }
0x60: {  	_ =	shalt  }
0x61: {  	_ =	shalt  }
0x62: {  	_ =	shalt  }
0x63: {  	_ =	shalt  }
0x64: {  	_ =	shalt  }
0x65: {  	_ =	shalt  }
0x66: {  	_ =	shalt  }
0x67: {  	_ =	shalt  }
0x68: {  	_ =	shalt  }
0x69: {  	_ =	shalt  }
0x6a: {  	_ =	shalt  }
0x6b: {  	_ =	shalt  }
0x6c: {  	_ =	shalt  }
0x6d: {  	_ =	shalt  }
0x6e: {  	_ =	shalt  }
0x6f: {  	_ =	shalt  }
0x70: {  	_ =	shalt  }
0x71: {  	_ =	shalt  }
0x72: {  	_ =	shalt  }
0x73: {  	_ =	shalt  }
0x74: {  	_ =	shalt  }
0x75: {  	_ =	shalt  }
0x76: {  	_ =	shalt  }
0x77: {  	_ =	shalt  }
0x78: {  	_ =	shalt  }
0x79: {  	_ =	shalt  }
0x7a: {  	_ =	shalt  }
0x7b: {  	_ =	shalt  }
0x7c: {  	_ =	shalt  }
0x7d: {  	_ =	shalt  }
0x7e: {  	_ =	shalt  }
0x7f: {  	_ =	shalt  }
0x80: {  	_ =	shalt  }
0x81: {  	_ =	shalt  }
0x82: {  	_ =	shalt  }
0x83: {  	_ =	shalt  }
0x84: {  	_ =	shalt  }
0x85: {  	_ =	shalt  }
0x86: {  	_ =	shalt  }
0x87: {  	_ =	shalt  }
.Lfunc_end0:
.L_simem_size_0:
called_computation_lowered:
.L_overlay_start_0:
0x88: {  	s2 =	sld [smem:$0x3FD9]  }
0x89: {  	s3 =	sld [smem:$0x3FFE];
	_ =	sdelay $0x1  }
0x8a: {  	s1 =	srdreg.scid  }
0x8b: {  	s0 =	sand.u32 $0x1, s1  }
0x8c: {  	s16 =	sshll.u32 s0, $0xA;
	s2 =	sadd.s32 s3, s2  }
0x8d: {  	s2 =	sadd.s32 s2, s16  }
0x8e: {  	[smem:$0x3FC4] =	sst s2  }
0x8f: {  	_ = 	snop  }
0x90: {  	(tm) =	ssettm $0x1  }
0x91: {  	s17 =	sld [smem:$0x3FFB];
	_ =	sdelay $0x3  }
0x92: {  	_ =	strace s17  }
0x93: {  	s2 =	sld [smem:$0x3FFC];
	_ =	sdelay $0x3  }
0x94: {  	_ =	strace s2  }
0x95: {  	s2 =	sld [smem:$0x3FFD];
	_ =	sdelay $0x3  }
0x96: {  	_ =	strace s2  }
0x97: {  	_ =	strace $0x8FFFFFFF  }
0x98: {  	s18 =	sld [smem:$0x3FDB];
	_ =	sdelay $0x1  }
0x99: {  	s19 =	simm.s32 $_scs_section_size  }
0x9a: {  	s4 =	simm.s32 $_size__tile_overlayer_lowered;
	s5 =	simm.s32 $_tile_overlayer_lowered  }
0x9b: {  	s22 =	simm.s32 $0x1BFF;
	s21 =	sshll.u32 s5, $0x1;
	s2 =	sadd.s32 s19, s18  }
0x9c: {  	s6 =	simm.s32 $0x0;
	s20 =	sshll.u32 s4, $0x1;
	s4 =	sadd.s32 s21, s2  }
0x9d: {  	[timem:s6], [sflag:s22] =	dma.local [hbm:s4], s20  }
0x9e: {  	_ =	swait.ge [sflag:s22], s20  }
0x9f: {  	s3 =	ssub.s32 $0x0, s20;
	[sflag:s22] =	ssyncset.done $0x0  }
0xa0: {  	[sflag:s22] =	ssyncadd.s32 s3;
	_ =	sdelay $0x1  }
0xa1: {  	s23 =	simm.s32 $0x1B8B  }
0xa2: {  	_ =	swait.ge [sflag:s23], $0x1  }
0xa3: {  	[sflag:s23] =	ssyncset.done $0x0  }
0xa4: {  	s25 =	simm.s32 $0x1B8E;
	s24 =	sld [smem:$0x3FFE];
	[sflag:s23] =	ssyncadd.s32 $0xFFFFFFFF  }
0xa5: {  	s26 =	simm.s32 $execute0_lowered;
	[smem:$0x3FD2] =	sst s25  }
0xa6: {  	s4 =	sshll.u32 s26, $0x1;
	_ =	strace $0x80000046;
	[dreg:$0x1] =	wrdreg $0xFFFFFFFF  }
0xa7: {  	s28 =	simm.s32 $_size_execute0_lowered;
	s2 =	sadd.s32 s2, s4;
	[dreg:$0x0] =	wrdreg $0x0  }
0xa8: {  	s4 =	sshll.u32 s28, $0x1;
	[dreg:$0x2] =	wrdreg s2  }
0xa9: {  	[dreg:$0x3] =	wrdreg s4  }
0xaa: {  	[dreg:$0x4] =	wrdreg $0xC0  }
0xab: {  	_ =	task [dreg:s6], $0x5FFFF  }
0xac: {  	[dreg:$0x1] =	wrdreg $0xFFFFFFFF  }
0xad: {  	[dreg:$0x0] =	wrdreg $0x60  }
0xae: {  	[dreg:$0x2] =	wrdreg s24  }
0xaf: {  	[dreg:$0x3] =	wrdreg $0x9  }
0xb0: {  	_ =	task.clear_ibuf [dreg:s6], $0x4FFFF;
	_ =	strace $0x90000046  }
0xb1: {  	s29 =	simm.s32 $0x9;
	_ =	strace $0x80000048  }
0xb2: {  	_ =	swait.ge [sflag:s29], $0x1  }
0xb3: {  	[sflag:s29] =	ssyncadd.s32 $0xFFFFFFFF  }
0xb4: {  	_ =	strace $0x90000048  }
0xb5: {  	_ =	sfence  }
0xb6: {  	s30 =	sld [smem:$0x0];
	_ =	sdelay $0x2  }
0xb7: {  	s31 =	sshll.u32 s1, $0xD;
	s1 =	sshrl.u32 s1, $0x2  }
0xb8: {  	s3 =	sand.u32 $0x4000, s31;
	s1 =	sadd.s32 s1, s30  }
0xb9: {  	s0 =	sor.u32 s3, s0;
	s1 =	sshll.u32 s1, $0x11  }
0xba: {  	s0 =	sor.u32 s1, s0  }
0xbb: {  	s0 =	sadd.s32 $0x8F2B, s0  }
0xbc: {  	[sflag:s0] =	ssyncadd.remote.s32 $0x1  }
0xbd: {  	_ =	sfence.sel $0xFFFF  }
0xbe: {  	[dreg:$0x0] =	wrdreg $0xFFFFFFFF;
	(pc) =	sbr.abs _section_cstart, $3  }
0xbf: {  	[dreg:$0x1] =	wrdreg $0xFFFFFFFF  }
0xc0: {  	_ =	task.clear_ibuf [dreg:s6], $0x2FFFF;
	_ =	strace $0x9FFFFFFF  }
0xc1: {  	(tm) =	ssettm $0x7FFFFFFF  }
tec
execute0_lowered:
.L_overlay_start_1:
0x0: {  	(tag) =	ssettag $0x1  }
0x1: {  	s1 =	srdreg.scid  }
0x2: {  	s0 =	stileid.u32;
	s5 =	rddreg [dreg:$0x0];
	s6 =	sand.u32 $0x1, s1  }
0x3: {  	s2 =	simm.s32 $0x0;
	s3 =	sshll.u32 s0, $0xD;
	s4 =	sshll.u32 s6, $0xC  }
0x4: {  	[smem:$0x7FF] =	sst s2;
	s3 =	sor.u32 s4, s3  }
0x5: {  	s1 =	rddreg [dreg:$0x1];
	_ =	strace $0x80000047;
	s8 =	sadd.s32 s3, s5  }
0x6: {  	s9 =	ssub.s32 $0x2, s6;
	s3 =	simm.s32 $0x2;
	s4 =	sadd.s32 $0x2B0400, s8  }
0x7: {  	[tilespmem:s2], [sflag:$0x2] =	stream.linear.gather [hbm4b:s4+s2], $0x8000, $0x38;
	[tilespmem:$0x10000] =	vst v63  }
0x8: {  	s7 =	simm.s32 $0x1;
	s10 =	sshrl.u32 s9, $0x1;
	_ =	swait.ge [sflag:s3], $0x8000  }
0x9: {  	s6 =	simm.s32 $0x8000;
	s9 =	ssub.s32 s9, s10;
	[sflag:s3] =	ssyncset.done $0x0  }
0xa: {  	s5 =	sadd.s32 $0xC00, s5;
	s9 =	smax.u32 s9, $0x1;
	[sflag:s3] =	ssyncadd.s32 $0xFFFF8000  }
0xb: {  	[tilespmem:s6], [sflag:$0x1] =	stream.indirect.gather [hbm4b:s5+s6], $0x1, s2, s6, $0xb8;
	[tilespmem:$0x10000] =	vst v63  }
0xc: {  	p0 =	sne.s32 s9, $0x1;
	_ =	swait.ge [sflag:s7], $0x8000  }
.Ltmp0:
0xd: {  	[sflag:s7] =	ssyncset.done $0x0;
	(pc) =	sbr.rel @!p0 .LBB2_2-.Ltmp0, $4  }
0xe: {  	s8 =	sadd.s32 $0x2D0400, s8;
	[sflag:s7] =	ssyncadd.s32 $0xFFFF8000  }
0xf: {  	[hbm4b:s8+s2] =	stream.linear.scatter [tilespmem:s6], [sflag:$0x2], $0x8000, $0x38;
	[tilespmem:$0x10000] =	vst v63  }
0x10: {  	_ =	swait.ge [sflag:s3], $0x8000  }
0x11: {  	s9 =	sadd.s32 $0xFFFFFFFF, s9;
	[sflag:s3] =	ssyncset.done $0x0  }
.LBB2_1:
0x12: {  	p0 =	sne.s32 s9, $0x1;
	s9 =	sadd.s32 $0xFFFFFFFF, s9;
	[sflag:s3] =	ssyncadd.s32 $0xFFFF8000  }
0x13: {  	[tilespmem:s2], [sflag:$0x2] =	stream.linear.gather [hbm4b:s4+s2], $0x8000, $0x38;
	[tilespmem:$0x10000] =	vst v63  }
0x14: {  	_ =	swait.ge [sflag:s3], $0x8000  }
0x15: {  	[sflag:s3] =	ssyncset.done $0x0  }
0x16: {  	[sflag:s3] =	ssyncadd.s32 $0xFFFF8000  }
0x17: {  	[tilespmem:s6], [sflag:$0x1] =	stream.indirect.gather [hbm4b:s5+s6], $0x1, s2, s6, $0xb8;
	[tilespmem:$0x10000] =	vst v63  }
0x18: {  	_ =	swait.ge [sflag:s7], $0x8000  }
.Ltmp1:
0x19: {  	[sflag:s7] =	ssyncset.done $0x0;
	(pc) =	sbr.rel @p0 .LBB2_1-.Ltmp1, $4  }
0x1a: {  	[sflag:s7] =	ssyncadd.s32 $0xFFFF8000  }
0x1b: {  	[hbm4b:s8+s2] =	stream.linear.scatter [tilespmem:s6], [sflag:$0x2], $0x8000, $0x38;
	[tilespmem:$0x10000] =	vst v63  }
0x1c: {  	_ =	swait.ge [sflag:s3], $0x8000  }
0x1d: {  	[sflag:s3] =	ssyncset.done $0x0  }
.LBB2_2:
0x1e: {  	[sflag:s3] =	ssyncadd.s32 $0xFFFF8000  }
0x1f: {  	_ =	sfence.sel $0x180000  }
0x20: {  	[bflag:$0x0] =	sbarrier.arrive $0xFFFF  }
0x21: {  	p0 =	sne.s32 s0, $0x0;
	_ =	strace $0x90000047  }
0x22: {  	s0 =	sadd.s32 @!p0 $0x100000, s1;
	[bflag:$0x2] =	sbarrier.arrive $0xFFFF  }
0x23: {  	[sflag:s0] =	ssyncadd.tile.s32 @!p0 $0x1;
	_ =	shalt  }
.Lfunc_end2:
_tile_overlayer_lowered:
.L_overlay_start_2:
0x24: {  	(tag) =	ssettag $0x2  }
0x25: {  	s0 =	rddreg [dreg:$0x0];
	s2 =	stileid.u32  }
0x26: {  	s1 =	rddreg [dreg:$0x1];
	p0 =	sne.s32 s2, $0x0  }
0x27: {  	s3 =	rddreg [dreg:$0x2];
	[bflag:$0x3] =	sbarrier.arrive $0xFFFF;
	s2 =	simm.s32 @!p0 $0x1C02  }
0x28: {  	[timem:s3], [sflag:s2] =	dma.local @!p0 [hbm:s0], s1  }
0x29: {  	s0 =	simm.s32 @!p0 $0x2  }
0x2a: {  	_ =	swait.ge @!p0 [sflag:s0], s1  }
0x2b: {  	s1 =	ssub.s32 @!p0 $0x0, s1;
	[sflag:s0] =	ssyncset.done @!p0 $0x0  }
0x2c: {  	[sflag:s0] =	ssyncadd.s32 @!p0 s1  }
0x2d: {  	[bflag:$0x3] =	sbarrier.arrive $0xFFFF  }
0x2e: {  	_ =	shalt  }

</sc_bundles>
